<compile_context>
chip_gen: v7x
topology: tpu7x:2x2x1
jax: 0.10.2.dev20260603
libtpu: 0.0.44.dev20260713+nightly
codegen_flags: <defaults>
</compile_context>

<pallas_src>
import functools

import jax
import jax.numpy as jnp
import numpy as np
from jax import lax
from jax.experimental import pallas as pl
from jax.experimental.pallas import tpu as pltpu
from jax.experimental.pallas import tpu_sc as plsc

_PRIMES = (4993, 4999, 5003, 5009, 5011)
_ALPHA = 0.0001
_N = 16384
_NC, _NS, _L = 2, 16, 16
_NW = _NC * _NS
_CHUNK = _N // _NW
_PAD = 5024
_LN2 = float(np.log(2.0))
_LOG2_COEF = (1.4426943455113115, -0.7212949323750789, 0.4799159780292521,
              -0.35278695884196, 0.2547762137791782, -0.1540769304318734,
              0.06298603700359981, -0.012214252057937003)

_mesh = plsc.VectorSubcoreMesh(core_axis_name="c", subcore_axis_name="s")


def _body(items_hbm, a0h, a1h, a2h, a3h, a4h, b0h, b1h, b2h, b3h, b4h,
          t_hbm, out_hbm, items_v, a_tabs, b_tabs, t_v, out_v, sem):
    wid = lax.axis_index("s") * _NC + lax.axis_index("c")
    base = wid * _CHUNK
    copies = [
        pltpu.async_copy(items_hbm.at[pl.ds(base, _CHUNK)], items_v, sem),
        pltpu.async_copy(t_hbm, t_v, sem),
    ]
    for k, (ah, bh) in enumerate(zip((a0h, a1h, a2h, a3h, a4h),
                                     (b0h, b1h, b2h, b3h, b4h))):
        copies.append(pltpu.async_copy(ah, a_tabs[k], sem))
        copies.append(pltpu.async_copy(bh, b_tabs[k], sem))
    for c in copies:
        c.wait()
    t1 = t_v[...] + 1.0

    def step(i, carry):
        off = pl.multiple_of(i * _L, _L)
        it = items_v[pl.ds(off, _L)]
        itf = it.astype(jnp.float32)
        m = None
        for k, p in enumerate(_PRIMES):
            q = (itf * np.float32(1.0 / p)).astype(jnp.int32)
            r = it - q * p
            r = jnp.where(r < 0, r + p, r)
            r = jnp.where(r >= p, r - p, r)
            ag = plsc.load_gather(a_tabs[k], [r])
            bg = plsc.load_gather(b_tabs[k], [r])
            delta = (1.0 - _ALPHA) * bg + _ALPHA * (t1 - ag)
            m = delta if m is None else jnp.maximum(m, delta)
        yi = lax.bitcast_convert_type(m, jnp.int32)
        e = lax.shift_right_arithmetic(yi, 23) - 127
        mant = lax.bitcast_convert_type(
            (yi & 0x007FFFFF) | 0x3F800000, jnp.float32)
        s = mant - 1.0
        acc = jnp.float32(_LOG2_COEF[-1])
        for cc in _LOG2_COEF[-2::-1]:
            acc = acc * s + jnp.float32(cc)
        log2m = e.astype(jnp.float32) + s * acc
        out_v[pl.ds(off, _L)] = np.float32(-_LN2) * log2m
        return carry

    lax.fori_loop(0, _CHUNK // _L, step, 0)
    pltpu.sync_copy(out_v, out_hbm.at[pl.ds(base, _CHUNK)])


_sc_call = functools.partial(
    pl.kernel,
    out_type=jax.ShapeDtypeStruct((_N,), jnp.float32),
    mesh=_mesh,
    compiler_params=pltpu.CompilerParams(needs_layout_passes=False),
    scratch_types=[
        pltpu.VMEM((_CHUNK,), jnp.int32),
        [pltpu.VMEM((_PAD,), jnp.float32) for _ in _PRIMES],
        [pltpu.VMEM((_PAD,), jnp.float32) for _ in _PRIMES],
        pltpu.VMEM((_L,), jnp.float32),
        pltpu.VMEM((_CHUNK,), jnp.float32),
        pltpu.SemaphoreType.DMA,
    ],
)(_body)


def kernel(items, A0, A1, A2, A3, A4, B0, B1, B2, B3, B4, t):
    def pad(x):
        return jnp.concatenate(
            [x, jnp.zeros((_PAD - x.shape[0],), x.dtype)])
    t16 = jnp.broadcast_to(t, (_L,))
    return _sc_call(items, pad(A0), pad(A1), pad(A2), pad(A3), pad(A4),
                    pad(B0), pad(B1), pad(B2), pad(B3), pad(B4), t16)

# --- scband reference (transcript-rebuilt; emitter-appended) ---
"""Pipeline reference for scband-est-pop-debias-25082609008872 (READ-ONLY COPY).

The authoritative reference and input builder live on the scoring server;
editing this copy changes nothing except your own understanding.
"""

import jax, jax.numpy as jnp
import numpy as np

PRIMES = [4993, 4999, 5003, 5009, 5011]
ALPHA = 0.0001


def setup_inputs(seed: int = 0) -> dict:
    key = jax.random.key(seed)
    items = jax.random.randint(key, (16384,), 0, 1000001, dtype=jnp.int32)
    inp = {"items": items}
    for i, p in enumerate(PRIMES):
        inp[f"A{i}"] = jnp.zeros((p,), dtype=jnp.float32)
        inp[f"B{i}"] = jnp.ones((p,), dtype=jnp.float32)
    inp["t"] = jnp.zeros((1,), dtype=jnp.float32)
    return inp


def reference(items, A0, A1, A2, A3, A4, B0, B1, B2, B3, B4, t):
    As = [A0, A1, A2, A3, A4]
    Bs = [B0, B1, B2, B3, B4]
    t1 = t + 1.0  # self.t += 1
    pis = []
    for i, p in enumerate(PRIMES):
        keys = items % p
        # gather old state
        b_gathered = jnp.take(Bs[i], keys, axis=0)
        a_gathered = jnp.take(As[i], keys, axis=0)
        delta = (1.0 - ALPHA) * b_gathered + ALPHA * (t1 - a_gathered)
        # scatter-overwrite state updates (index_put without accumulate)
        Bs[i] = Bs[i].at[keys].set(delta)
        As[i] = As[i].at[keys].set(jnp.broadcast_to(t1, keys.shape))
        pis.append(delta)
    pi = jnp.stack(pis, axis=0)
    return jnp.log(1.0 / jnp.max(pi, axis=0))

if __name__ == "__main__":
    import jax
    _d = setup_inputs()
    print(jax.jit(kernel)(*tuple(_d.values())))

</pallas_src>

<mosaic_0001>
#map = affine_map<(d0, d1) -> (0)>
module attributes {stable_mosaic.version = 14 : i64} {
  func.func @_body(%arg0: i32, %arg1: i32, %arg2: memref<16384xi32, #tpu.memory_space<hbm>>, %arg3: memref<5024xf32, #tpu.memory_space<hbm>>, %arg4: memref<5024xf32, #tpu.memory_space<hbm>>, %arg5: memref<5024xf32, #tpu.memory_space<hbm>>, %arg6: memref<5024xf32, #tpu.memory_space<hbm>>, %arg7: memref<5024xf32, #tpu.memory_space<hbm>>, %arg8: memref<5024xf32, #tpu.memory_space<hbm>>, %arg9: memref<5024xf32, #tpu.memory_space<hbm>>, %arg10: memref<5024xf32, #tpu.memory_space<hbm>>, %arg11: memref<5024xf32, #tpu.memory_space<hbm>>, %arg12: memref<5024xf32, #tpu.memory_space<hbm>>, %arg13: memref<16xf32, #tpu.memory_space<hbm>>, %arg14: memref<16384xf32, #tpu.memory_space<hbm>>, %arg15: memref<512xi32, #tpu.memory_space<vmem>>, %arg16: memref<5024xf32, #tpu.memory_space<vmem>>, %arg17: memref<5024xf32, #tpu.memory_space<vmem>>, %arg18: memref<5024xf32, #tpu.memory_space<vmem>>, %arg19: memref<5024xf32, #tpu.memory_space<vmem>>, %arg20: memref<5024xf32, #tpu.memory_space<vmem>>, %arg21: memref<5024xf32, #tpu.memory_space<vmem>>, %arg22: memref<5024xf32, #tpu.memory_space<vmem>>, %arg23: memref<5024xf32, #tpu.memory_space<vmem>>, %arg24: memref<5024xf32, #tpu.memory_space<vmem>>, %arg25: memref<5024xf32, #tpu.memory_space<vmem>>, %arg26: memref<16xf32, #tpu.memory_space<vmem>>, %arg27: memref<512xf32, #tpu.memory_space<vmem>>, %arg28: memref<!tpu.dma_semaphore, #tpu.memory_space<semaphore_mem>>) attributes {dimension_semantics = [#tpu.dimension_semantics<core_parallel>, #tpu.dimension_semantics<subcore_parallel>], iteration_bounds = array<i64: 2, 16>, scalar_prefetch = 0 : i64, scratch_operands = 14 : i64, tpu.core_type = #tpu.core_type<sc_vector_subcore>, window_params = [{transform_indices = #map}, {transform_indices = #map}, {transform_indices = #map}, {transform_indices = #map}, {transform_indices = #map}, {transform_indices = #map}, {transform_indices = #map}, {transform_indices = #map}, {transform_indices = #map}, {transform_indices = #map}, {transform_indices = #map}, {transform_indices = #map}, {transform_indices = #map}]} {
    %mul3A = arith.constant 2 : i32
    %mul3A_0 = arith.muli %arg1, %mul3A : i32
    %add3A = arith.addi %mul3A_0, %arg0 : i32
    %mul3A_1 = arith.constant 512 : i32
    %mul3A_2 = arith.muli %add3A, %mul3A_1 : i32
    %dma_start3A = tpu.memref_slice %arg2[%mul3A_2] : memref<16384xi32, #tpu.memory_space<hbm>> -> memref<512xi32, #tpu.memory_space<hbm>>
    %dma_start3A_3 = tpu.memref_slice %arg2[%mul3A_2] : memref<16384xi32, #tpu.memory_space<hbm>> -> memref<512xi32, #tpu.memory_space<hbm>>
    tpu.enqueue_dma source(%dma_start3A_3 : memref<512xi32, #tpu.memory_space<hbm>>) target(%arg15 : memref<512xi32, #tpu.memory_space<vmem>>) target_semaphore(%arg28 : memref<!tpu.dma_semaphore, #tpu.memory_space<semaphore_mem>>)
    tpu.enqueue_dma source(%arg13 : memref<16xf32, #tpu.memory_space<hbm>>) target(%arg26 : memref<16xf32, #tpu.memory_space<vmem>>) target_semaphore(%arg28 : memref<!tpu.dma_semaphore, #tpu.memory_space<semaphore_mem>>)
    tpu.enqueue_dma source(%arg3 : memref<5024xf32, #tpu.memory_space<hbm>>) target(%arg16 : memref<5024xf32, #tpu.memory_space<vmem>>) target_semaphore(%arg28 : memref<!tpu.dma_semaphore, #tpu.memory_space<semaphore_mem>>)
    tpu.enqueue_dma source(%arg8 : memref<5024xf32, #tpu.memory_space<hbm>>) target(%arg21 : memref<5024xf32, #tpu.memory_space<vmem>>) target_semaphore(%arg28 : memref<!tpu.dma_semaphore, #tpu.memory_space<semaphore_mem>>)
    tpu.enqueue_dma source(%arg4 : memref<5024xf32, #tpu.memory_space<hbm>>) target(%arg17 : memref<5024xf32, #tpu.memory_space<vmem>>) target_semaphore(%arg28 : memref<!tpu.dma_semaphore, #tpu.memory_space<semaphore_mem>>)
    tpu.enqueue_dma source(%arg9 : memref<5024xf32, #tpu.memory_space<hbm>>) target(%arg22 : memref<5024xf32, #tpu.memory_space<vmem>>) target_semaphore(%arg28 : memref<!tpu.dma_semaphore, #tpu.memory_space<semaphore_mem>>)
    tpu.enqueue_dma source(%arg5 : memref<5024xf32, #tpu.memory_space<hbm>>) target(%arg18 : memref<5024xf32, #tpu.memory_space<vmem>>) target_semaphore(%arg28 : memref<!tpu.dma_semaphore, #tpu.memory_space<semaphore_mem>>)
    tpu.enqueue_dma source(%arg10 : memref<5024xf32, #tpu.memory_space<hbm>>) target(%arg23 : memref<5024xf32, #tpu.memory_space<vmem>>) target_semaphore(%arg28 : memref<!tpu.dma_semaphore, #tpu.memory_space<semaphore_mem>>)
    tpu.enqueue_dma source(%arg6 : memref<5024xf32, #tpu.memory_space<hbm>>) target(%arg19 : memref<5024xf32, #tpu.memory_space<vmem>>) target_semaphore(%arg28 : memref<!tpu.dma_semaphore, #tpu.memory_space<semaphore_mem>>)
    tpu.enqueue_dma source(%arg11 : memref<5024xf32, #tpu.memory_space<hbm>>) target(%arg24 : memref<5024xf32, #tpu.memory_space<vmem>>) target_semaphore(%arg28 : memref<!tpu.dma_semaphore, #tpu.memory_space<semaphore_mem>>)
    tpu.enqueue_dma source(%arg7 : memref<5024xf32, #tpu.memory_space<hbm>>) target(%arg20 : memref<5024xf32, #tpu.memory_space<vmem>>) target_semaphore(%arg28 : memref<!tpu.dma_semaphore, #tpu.memory_space<semaphore_mem>>)
    tpu.enqueue_dma source(%arg12 : memref<5024xf32, #tpu.memory_space<hbm>>) target(%arg25 : memref<5024xf32, #tpu.memory_space<vmem>>) target_semaphore(%arg28 : memref<!tpu.dma_semaphore, #tpu.memory_space<semaphore_mem>>)
    %dma_wait3A = tpu.memref_slice %arg2[%mul3A_2] : memref<16384xi32, #tpu.memory_space<hbm>> -> memref<512xi32, #tpu.memory_space<hbm>>
    %dma_wait3A_4 = tpu.memref_slice %arg2[%mul3A_2] : memref<16384xi32, #tpu.memory_space<hbm>> -> memref<512xi32, #tpu.memory_space<hbm>>
    tpu.wait_dma2 semaphore(%arg28 : memref<!tpu.dma_semaphore, #tpu.memory_space<semaphore_mem>>) src(%dma_wait3A_4 : memref<512xi32, #tpu.memory_space<hbm>>) dst(%arg15 : memref<512xi32, #tpu.memory_space<vmem>>)
    tpu.wait_dma2 semaphore(%arg28 : memref<!tpu.dma_semaphore, #tpu.memory_space<semaphore_mem>>) src(%arg13 : memref<16xf32, #tpu.memory_space<hbm>>) dst(%arg26 : memref<16xf32, #tpu.memory_space<vmem>>)
    tpu.wait_dma2 semaphore(%arg28 : memref<!tpu.dma_semaphore, #tpu.memory_space<semaphore_mem>>) src(%arg3 : memref<5024xf32, #tpu.memory_space<hbm>>) dst(%arg16 : memref<5024xf32, #tpu.memory_space<vmem>>)
    tpu.wait_dma2 semaphore(%arg28 : memref<!tpu.dma_semaphore, #tpu.memory_space<semaphore_mem>>) src(%arg8 : memref<5024xf32, #tpu.memory_space<hbm>>) dst(%arg21 : memref<5024xf32, #tpu.memory_space<vmem>>)
    tpu.wait_dma2 semaphore(%arg28 : memref<!tpu.dma_semaphore, #tpu.memory_space<semaphore_mem>>) src(%arg4 : memref<5024xf32, #tpu.memory_space<hbm>>) dst(%arg17 : memref<5024xf32, #tpu.memory_space<vmem>>)
    tpu.wait_dma2 semaphore(%arg28 : memref<!tpu.dma_semaphore, #tpu.memory_space<semaphore_mem>>) src(%arg9 : memref<5024xf32, #tpu.memory_space<hbm>>) dst(%arg22 : memref<5024xf32, #tpu.memory_space<vmem>>)
    tpu.wait_dma2 semaphore(%arg28 : memref<!tpu.dma_semaphore, #tpu.memory_space<semaphore_mem>>) src(%arg5 : memref<5024xf32, #tpu.memory_space<hbm>>) dst(%arg18 : memref<5024xf32, #tpu.memory_space<vmem>>)
    tpu.wait_dma2 semaphore(%arg28 : memref<!tpu.dma_semaphore, #tpu.memory_space<semaphore_mem>>) src(%arg10 : memref<5024xf32, #tpu.memory_space<hbm>>) dst(%arg23 : memref<5024xf32, #tpu.memory_space<vmem>>)
    tpu.wait_dma2 semaphore(%arg28 : memref<!tpu.dma_semaphore, #tpu.memory_space<semaphore_mem>>) src(%arg6 : memref<5024xf32, #tpu.memory_space<hbm>>) dst(%arg19 : memref<5024xf32, #tpu.memory_space<vmem>>)
    tpu.wait_dma2 semaphore(%arg28 : memref<!tpu.dma_semaphore, #tpu.memory_space<semaphore_mem>>) src(%arg11 : memref<5024xf32, #tpu.memory_space<hbm>>) dst(%arg24 : memref<5024xf32, #tpu.memory_space<vmem>>)
    tpu.wait_dma2 semaphore(%arg28 : memref<!tpu.dma_semaphore, #tpu.memory_space<semaphore_mem>>) src(%arg7 : memref<5024xf32, #tpu.memory_space<hbm>>) dst(%arg20 : memref<5024xf32, #tpu.memory_space<vmem>>)
    tpu.wait_dma2 semaphore(%arg28 : memref<!tpu.dma_semaphore, #tpu.memory_space<semaphore_mem>>) src(%arg12 : memref<5024xf32, #tpu.memory_space<hbm>>) dst(%arg25 : memref<5024xf32, #tpu.memory_space<vmem>>)
    %get3A = arith.constant 0 : index
    %get3A_5 = tpu.vector_load %arg26[%get3A] {strides = array<i32>} : memref<16xf32, #tpu.memory_space<vmem>>, vector<16xf32>,
    %add3A_6 = arith.constant 1.000000e+00 : f32
    %add3A_7 = vector.broadcast %add3A_6 : f32 to vector<16xf32>
    %add3A_8 = arith.addf %get3A_5, %add3A_7 : vector<16xf32>
    %scan3A = arith.constant 0 : i32
    %scan3A_9 = arith.constant 0 : i32
    %scan3A_10 = arith.constant 32 : i32
    %scan3A_11 = arith.addi %scan3A_9, %scan3A_10 : i32
    %scan3A_12 = arith.constant 1 : i32
    scf.for %scan3A_14 = %scan3A_9 to %scan3A_11 step %scan3A_12  : i32 {
      %mul3A_15 = arith.constant 16 : i32
      %mul3A_16 = arith.muli %scan3A_14, %mul3A_15 : i32
      %multiple_of3A = tpu.assume_multiple %mul3A_16, 16 : i32
      %get3A_17 = arith.index_cast %multiple_of3A : i32 to index
      %get3A_18 = tpu.vector_load %arg15[%get3A_17] {strides = array<i32>} : memref<512xi32, #tpu.memory_space<vmem>>, vector<16xi32>,
      %convert_element_type3A = arith.sitofp %get3A_18 : vector<16xi32> to vector<16xf32>
      %mul3A_19 = arith.constant 2.00280396E-4 : f32
      %mul3A_20 = vector.broadcast %mul3A_19 : f32 to vector<16xf32>
      %mul3A_21 = arith.mulf %convert_element_type3A, %mul3A_20 : vector<16xf32>
      %convert_element_type3A_22 = arith.fptosi %mul3A_21 : vector<16xf32> to vector<16xi32>
      %mul3A_23 = arith.constant 4993 : i32
      %mul3A_24 = vector.broadcast %mul3A_23 : i32 to vector<16xi32>
      %mul3A_25 = arith.muli %convert_element_type3A_22, %mul3A_24 : vector<16xi32>
      %sub3A = arith.subi %get3A_18, %mul3A_25 : vector<16xi32>
      %lt3A = arith.constant 0 : i32
      %lt3A_26 = vector.broadcast %lt3A : i32 to vector<16xi32>
      %lt3A_27 = arith.cmpi slt, %sub3A, %lt3A_26 : vector<16xi32>
      %add3A_28 = arith.constant 4993 : i32
      %add3A_29 = vector.broadcast %add3A_28 : i32 to vector<16xi32>
      %add3A_30 = arith.addi %sub3A, %add3A_29 : vector<16xi32>
      %select_n3A = arith.select %lt3A_27, %add3A_30, %sub3A : vector<16xi1>, vector<16xi32>
      %ge3A = arith.constant 4993 : i32
      %ge3A_31 = vector.broadcast %ge3A : i32 to vector<16xi32>
      %ge3A_32 = arith.cmpi sge, %select_n3A, %ge3A_31 : vector<16xi32>
      %sub3A_33 = arith.constant 4993 : i32
      %sub3A_34 = vector.broadcast %sub3A_33 : i32 to vector<16xi32>
      %sub3A_35 = arith.subi %select_n3A, %sub3A_34 : vector<16xi32>
      %select_n3A_36 = arith.select %ge3A_32, %sub3A_35, %select_n3A : vector<16xi1>, vector<16xi32>
      %gather3A = tpu.vector_load_idx %arg16[%select_n3A_36] : memref<5024xf32, #tpu.memory_space<vmem>>[vector<16xi32>], vector<16xf32>,
      %gather3A_37 = tpu.vector_load_idx %arg21[%select_n3A_36] : memref<5024xf32, #tpu.memory_space<vmem>>[vector<16xi32>], vector<16xf32>,
      %mul3A_38 = arith.constant 0.999899983 : f32
      %mul3A_39 = vector.broadcast %mul3A_38 : f32 to vector<16xf32>
      %mul3A_40 = arith.mulf %mul3A_39, %gather3A_37 : vector<16xf32>
      %sub3A_41 = arith.subf %add3A_8, %gather3A : vector<16xf32>
      %mul3A_42 = arith.constant 9.99999974E-5 : f32
      %mul3A_43 = vector.broadcast %mul3A_42 : f32 to vector<16xf32>
      %mul3A_44 = arith.mulf %mul3A_43, %sub3A_41 : vector<16xf32>
      %add3A_45 = arith.addf %mul3A_40, %mul3A_44 : vector<16xf32>
      %mul3A_46 = arith.constant 2.00040013E-4 : f32
      %mul3A_47 = vector.broadcast %mul3A_46 : f32 to vector<16xf32>
      %mul3A_48 = arith.mulf %convert_element_type3A, %mul3A_47 : vector<16xf32>
      %convert_element_type3A_49 = arith.fptosi %mul3A_48 : vector<16xf32> to vector<16xi32>
      %mul3A_50 = arith.constant 4999 : i32
      %mul3A_51 = vector.broadcast %mul3A_50 : i32 to vector<16xi32>
      %mul3A_52 = arith.muli %convert_element_type3A_49, %mul3A_51 : vector<16xi32>
      %sub3A_53 = arith.subi %get3A_18, %mul3A_52 : vector<16xi32>
      %lt3A_54 = arith.constant 0 : i32
      %lt3A_55 = vector.broadcast %lt3A_54 : i32 to vector<16xi32>
      %lt3A_56 = arith.cmpi slt, %sub3A_53, %lt3A_55 : vector<16xi32>
      %add3A_57 = arith.constant 4999 : i32
      %add3A_58 = vector.broadcast %add3A_57 : i32 to vector<16xi32>
      %add3A_59 = arith.addi %sub3A_53, %add3A_58 : vector<16xi32>
      %select_n3A_60 = arith.select %lt3A_56, %add3A_59, %sub3A_53 : vector<16xi1>, vector<16xi32>
      %ge3A_61 = arith.constant 4999 : i32
      %ge3A_62 = vector.broadcast %ge3A_61 : i32 to vector<16xi32>
      %ge3A_63 = arith.cmpi sge, %select_n3A_60, %ge3A_62 : vector<16xi32>
      %sub3A_64 = arith.constant 4999 : i32
      %sub3A_65 = vector.broadcast %sub3A_64 : i32 to vector<16xi32>
      %sub3A_66 = arith.subi %select_n3A_60, %sub3A_65 : vector<16xi32>
      %select_n3A_67 = arith.select %ge3A_63, %sub3A_66, %select_n3A_60 : vector<16xi1>, vector<16xi32>
      %gather3A_68 = tpu.vector_load_idx %arg17[%select_n3A_67] : memref<5024xf32, #tpu.memory_space<vmem>>[vector<16xi32>], vector<16xf32>,
      %gather3A_69 = tpu.vector_load_idx %arg22[%select_n3A_67] : memref<5024xf32, #tpu.memory_space<vmem>>[vector<16xi32>], vector<16xf32>,
      %mul3A_70 = arith.constant 0.999899983 : f32
      %mul3A_71 = vector.broadcast %mul3A_70 : f32 to vector<16xf32>
      %mul3A_72 = arith.mulf %mul3A_71, %gather3A_69 : vector<16xf32>
      %sub3A_73 = arith.subf %add3A_8, %gather3A_68 : vector<16xf32>
      %mul3A_74 = arith.constant 9.99999974E-5 : f32
      %mul3A_75 = vector.broadcast %mul3A_74 : f32 to vector<16xf32>
      %mul3A_76 = arith.mulf %mul3A_75, %sub3A_73 : vector<16xf32>
      %add3A_77 = arith.addf %mul3A_72, %mul3A_76 : vector<16xf32>
      %max3A = arith.maximumf %add3A_45, %add3A_77 : vector<16xf32>
      %mul3A_78 = arith.constant 1.99880073E-4 : f32
      %mul3A_79 = vector.broadcast %mul3A_78 : f32 to vector<16xf32>
      %mul3A_80 = arith.mulf %convert_element_type3A, %mul3A_79 : vector<16xf32>
      %convert_element_type3A_81 = arith.fptosi %mul3A_80 : vector<16xf32> to vector<16xi32>
      %mul3A_82 = arith.constant 5003 : i32
      %mul3A_83 = vector.broadcast %mul3A_82 : i32 to vector<16xi32>
      %mul3A_84 = arith.muli %convert_element_type3A_81, %mul3A_83 : vector<16xi32>
      %sub3A_85 = arith.subi %get3A_18, %mul3A_84 : vector<16xi32>
      %lt3A_86 = arith.constant 0 : i32
      %lt3A_87 = vector.broadcast %lt3A_86 : i32 to vector<16xi32>
      %lt3A_88 = arith.cmpi slt, %sub3A_85, %lt3A_87 : vector<16xi32>
      %add3A_89 = arith.constant 5003 : i32
      %add3A_90 = vector.broadcast %add3A_89 : i32 to vector<16xi32>
      %add3A_91 = arith.addi %sub3A_85, %add3A_90 : vector<16xi32>
      %select_n3A_92 = arith.select %lt3A_88, %add3A_91, %sub3A_85 : vector<16xi1>, vector<16xi32>
      %ge3A_93 = arith.constant 5003 : i32
      %ge3A_94 = vector.broadcast %ge3A_93 : i32 to vector<16xi32>
      %ge3A_95 = arith.cmpi sge, %select_n3A_92, %ge3A_94 : vector<16xi32>
      %sub3A_96 = arith.constant 5003 : i32
      %sub3A_97 = vector.broadcast %sub3A_96 : i32 to vector<16xi32>
      %sub3A_98 = arith.subi %select_n3A_92, %sub3A_97 : vector<16xi32>
      %select_n3A_99 = arith.select %ge3A_95, %sub3A_98, %select_n3A_92 : vector<16xi1>, vector<16xi32>
      %gather3A_100 = tpu.vector_load_idx %arg18[%select_n3A_99] : memref<5024xf32, #tpu.memory_space<vmem>>[vector<16xi32>], vector<16xf32>,
      %gather3A_101 = tpu.vector_load_idx %arg23[%select_n3A_99] : memref<5024xf32, #tpu.memory_space<vmem>>[vector<16xi32>], vector<16xf32>,
      %mul3A_102 = arith.constant 0.999899983 : f32
      %mul3A_103 = vector.broadcast %mul3A_102 : f32 to vector<16xf32>
      %mul3A_104 = arith.mulf %mul3A_103, %gather3A_101 : vector<16xf32>
      %sub3A_105 = arith.subf %add3A_8, %gather3A_100 : vector<16xf32>
      %mul3A_106 = arith.constant 9.99999974E-5 : f32
      %mul3A_107 = vector.broadcast %mul3A_106 : f32 to vector<16xf32>
      %mul3A_108 = arith.mulf %mul3A_107, %sub3A_105 : vector<16xf32>
      %add3A_109 = arith.addf %mul3A_104, %mul3A_108 : vector<16xf32>
      %max3A_110 = arith.maximumf %max3A, %add3A_109 : vector<16xf32>
      %mul3A_111 = arith.constant 1.9964065E-4 : f32
      %mul3A_112 = vector.broadcast %mul3A_111 : f32 to vector<16xf32>
      %mul3A_113 = arith.mulf %convert_element_type3A, %mul3A_112 : vector<16xf32>
      %convert_element_type3A_114 = arith.fptosi %mul3A_113 : vector<16xf32> to vector<16xi32>
      %mul3A_115 = arith.constant 5009 : i32
      %mul3A_116 = vector.broadcast %mul3A_115 : i32 to vector<16xi32>
      %mul3A_117 = arith.muli %convert_element_type3A_114, %mul3A_116 : vector<16xi32>
      %sub3A_118 = arith.subi %get3A_18, %mul3A_117 : vector<16xi32>
      %lt3A_119 = arith.constant 0 : i32
      %lt3A_120 = vector.broadcast %lt3A_119 : i32 to vector<16xi32>
      %lt3A_121 = arith.cmpi slt, %sub3A_118, %lt3A_120 : vector<16xi32>
      %add3A_122 = arith.constant 5009 : i32
      %add3A_123 = vector.broadcast %add3A_122 : i32 to vector<16xi32>
      %add3A_124 = arith.addi %sub3A_118, %add3A_123 : vector<16xi32>
      %select_n3A_125 = arith.select %lt3A_121, %add3A_124, %sub3A_118 : vector<16xi1>, vector<16xi32>
      %ge3A_126 = arith.constant 5009 : i32
      %ge3A_127 = vector.broadcast %ge3A_126 : i32 to vector<16xi32>
      %ge3A_128 = arith.cmpi sge, %select_n3A_125, %ge3A_127 : vector<16xi32>
      %sub3A_129 = arith.constant 5009 : i32
      %sub3A_130 = vector.broadcast %sub3A_129 : i32 to vector<16xi32>
      %sub3A_131 = arith.subi %select_n3A_125, %sub3A_130 : vector<16xi32>
      %select_n3A_132 = arith.select %ge3A_128, %sub3A_131, %select_n3A_125 : vector<16xi1>, vector<16xi32>
      %gather3A_133 = tpu.vector_load_idx %arg19[%select_n3A_132] : memref<5024xf32, #tpu.memory_space<vmem>>[vector<16xi32>], vector<16xf32>,
      %gather3A_134 = tpu.vector_load_idx %arg24[%select_n3A_132] : memref<5024xf32, #tpu.memory_space<vmem>>[vector<16xi32>], vector<16xf32>,
      %mul3A_135 = arith.constant 0.999899983 : f32
      %mul3A_136 = vector.broadcast %mul3A_135 : f32 to vector<16xf32>
      %mul3A_137 = arith.mulf %mul3A_136, %gather3A_134 : vector<16xf32>
      %sub3A_138 = arith.subf %add3A_8, %gather3A_133 : vector<16xf32>
      %mul3A_139 = arith.constant 9.99999974E-5 : f32
      %mul3A_140 = vector.broadcast %mul3A_139 : f32 to vector<16xf32>
      %mul3A_141 = arith.mulf %mul3A_140, %sub3A_138 : vector<16xf32>
      %add3A_142 = arith.addf %mul3A_137, %mul3A_141 : vector<16xf32>
      %max3A_143 = arith.maximumf %max3A_110, %add3A_142 : vector<16xf32>
      %mul3A_144 = arith.constant 1.99560964E-4 : f32
      %mul3A_145 = vector.broadcast %mul3A_144 : f32 to vector<16xf32>
      %mul3A_146 = arith.mulf %convert_element_type3A, %mul3A_145 : vector<16xf32>
      %convert_element_type3A_147 = arith.fptosi %mul3A_146 : vector<16xf32> to vector<16xi32>
      %mul3A_148 = arith.constant 5011 : i32
      %mul3A_149 = vector.broadcast %mul3A_148 : i32 to vector<16xi32>
      %mul3A_150 = arith.muli %convert_element_type3A_147, %mul3A_149 : vector<16xi32>
      %sub3A_151 = arith.subi %get3A_18, %mul3A_150 : vector<16xi32>
      %lt3A_152 = arith.constant 0 : i32
      %lt3A_153 = vector.broadcast %lt3A_152 : i32 to vector<16xi32>
      %lt3A_154 = arith.cmpi slt, %sub3A_151, %lt3A_153 : vector<16xi32>
      %add3A_155 = arith.constant 5011 : i32
      %add3A_156 = vector.broadcast %add3A_155 : i32 to vector<16xi32>
      %add3A_157 = arith.addi %sub3A_151, %add3A_156 : vector<16xi32>
      %select_n3A_158 = arith.select %lt3A_154, %add3A_157, %sub3A_151 : vector<16xi1>, vector<16xi32>
      %ge3A_159 = arith.constant 5011 : i32
      %ge3A_160 = vector.broadcast %ge3A_159 : i32 to vector<16xi32>
      %ge3A_161 = arith.cmpi sge, %select_n3A_158, %ge3A_160 : vector<16xi32>
      %sub3A_162 = arith.constant 5011 : i32
      %sub3A_163 = vector.broadcast %sub3A_162 : i32 to vector<16xi32>
      %sub3A_164 = arith.subi %select_n3A_158, %sub3A_163 : vector<16xi32>
      %select_n3A_165 = arith.select %ge3A_161, %sub3A_164, %select_n3A_158 : vector<16xi1>, vector<16xi32>
      %gather3A_166 = tpu.vector_load_idx %arg20[%select_n3A_165] : memref<5024xf32, #tpu.memory_space<vmem>>[vector<16xi32>], vector<16xf32>,
      %gather3A_167 = tpu.vector_load_idx %arg25[%select_n3A_165] : memref<5024xf32, #tpu.memory_space<vmem>>[vector<16xi32>], vector<16xf32>,
      %mul3A_168 = arith.constant 0.999899983 : f32
      %mul3A_169 = vector.broadcast %mul3A_168 : f32 to vector<16xf32>
      %mul3A_170 = arith.mulf %mul3A_169, %gather3A_167 : vector<16xf32>
      %sub3A_171 = arith.subf %add3A_8, %gather3A_166 : vector<16xf32>
      %mul3A_172 = arith.constant 9.99999974E-5 : f32
      %mul3A_173 = vector.broadcast %mul3A_172 : f32 to vector<16xf32>
      %mul3A_174 = arith.mulf %mul3A_173, %sub3A_171 : vector<16xf32>
      %add3A_175 = arith.addf %mul3A_170, %mul3A_174 : vector<16xf32>
      %max3A_176 = arith.maximumf %max3A_143, %add3A_175 : vector<16xf32>
      %bitcast_convert_type3A = tpu.bitcast %max3A_176 : vector<16xf32> -> vector<16xi32>
      %shift_right_arithmetic3A = arith.constant 23 : i32
      %shift_right_arithmetic3A_177 = vector.broadcast %shift_right_arithmetic3A : i32 to vector<16xi32>
      %shift_right_arithmetic3A_178 = arith.shrsi %bitcast_convert_type3A, %shift_right_arithmetic3A_177 : vector<16xi32>
      %sub3A_179 = arith.constant 127 : i32
      %sub3A_180 = vector.broadcast %sub3A_179 : i32 to vector<16xi32>
      %sub3A_181 = arith.subi %shift_right_arithmetic3A_178, %sub3A_180 : vector<16xi32>
      %and3A = arith.constant 8388607 : i32
      %and3A_182 = vector.broadcast %and3A : i32 to vector<16xi32>
      %and3A_183 = arith.andi %bitcast_convert_type3A, %and3A_182 : vector<16xi32>
      %or3A = arith.constant 1065353216 : i32
      %or3A_184 = vector.broadcast %or3A : i32 to vector<16xi32>
      %or3A_185 = arith.ori %and3A_183, %or3A_184 : vector<16xi32>
      %bitcast_convert_type3A_186 = tpu.bitcast %or3A_185 : vector<16xi32> -> vector<16xf32>
      %sub3A_187 = arith.constant 1.000000e+00 : f32
      %sub3A_188 = vector.broadcast %sub3A_187 : f32 to vector<16xf32>
      %sub3A_189 = arith.subf %bitcast_convert_type3A_186, %sub3A_188 : vector<16xf32>
      %mul3A_190 = arith.constant -0.0122142518 : f32
      %mul3A_191 = vector.broadcast %mul3A_190 : f32 to vector<16xf32>
      %mul3A_192 = arith.mulf %mul3A_191, %sub3A_189 : vector<16xf32>
      %add3A_193 = arith.constant 0.0629860386 : f32
      %add3A_194 = vector.broadcast %add3A_193 : f32 to vector<16xf32>
      %add3A_195 = arith.addf %mul3A_192, %add3A_194 : vector<16xf32>
      %mul3A_196 = arith.mulf %add3A_195, %sub3A_189 : vector<16xf32>
      %add3A_197 = arith.constant -0.154076934 : f32
      %add3A_198 = vector.broadcast %add3A_197 : f32 to vector<16xf32>
      %add3A_199 = arith.addf %mul3A_196, %add3A_198 : vector<16xf32>
      %mul3A_200 = arith.mulf %add3A_199, %sub3A_189 : vector<16xf32>
      %add3A_201 = arith.constant 0.25477621 : f32
      %add3A_202 = vector.broadcast %add3A_201 : f32 to vector<16xf32>
      %add3A_203 = arith.addf %mul3A_200, %add3A_202 : vector<16xf32>
      %mul3A_204 = arith.mulf %add3A_203, %sub3A_189 : vector<16xf32>
      %add3A_205 = arith.constant -0.352786958 : f32
      %add3A_206 = vector.broadcast %add3A_205 : f32 to vector<16xf32>
      %add3A_207 = arith.addf %mul3A_204, %add3A_206 : vector<16xf32>
      %mul3A_208 = arith.mulf %add3A_207, %sub3A_189 : vector<16xf32>
      %add3A_209 = arith.constant 0.479915977 : f32
      %add3A_210 = vector.broadcast %add3A_209 : f32 to vector<16xf32>
      %add3A_211 = arith.addf %mul3A_208, %add3A_210 : vector<16xf32>
      %mul3A_212 = arith.mulf %add3A_211, %sub3A_189 : vector<16xf32>
      %add3A_213 = arith.constant -0.721294939 : f32
      %add3A_214 = vector.broadcast %add3A_213 : f32 to vector<16xf32>
      %add3A_215 = arith.addf %mul3A_212, %add3A_214 : vector<16xf32>
      %mul3A_216 = arith.mulf %add3A_215, %sub3A_189 : vector<16xf32>
      %add3A_217 = arith.constant 1.44269431 : f32
      %add3A_218 = vector.broadcast %add3A_217 : f32 to vector<16xf32>
      %add3A_219 = arith.addf %mul3A_216, %add3A_218 : vector<16xf32>
      %convert_element_type3A_220 = arith.sitofp %sub3A_181 : vector<16xi32> to vector<16xf32>
      %mul3A_221 = arith.mulf %sub3A_189, %add3A_219 : vector<16xf32>
      %add3A_222 = arith.addf %convert_element_type3A_220, %mul3A_221 : vector<16xf32>
      %mul3A_223 = arith.constant -0.693147182 : f32
      %mul3A_224 = vector.broadcast %mul3A_223 : f32 to vector<16xf32>
      %mul3A_225 = arith.mulf %mul3A_224, %add3A_222 : vector<16xf32>
      %swap3A = arith.index_cast %multiple_of3A : i32 to index
      %swap3A_226 = tpu.vector_load %arg27[%swap3A] {strides = array<i32>} : memref<512xf32, #tpu.memory_space<vmem>>, vector<16xf32>,
      tpu.vector_store %arg27[%swap3A], %mul3A_225 {strides = array<i32>} : memref<512xf32, #tpu.memory_space<vmem>>, vector<16xf32>,
    }
    %scan3A_13 = arith.constant 32 : i32
    "tpu.region"() ({
      %run_scoped3A = tpu.sem_alloc : memref<!tpu.dma_semaphore, #tpu.memory_space<semaphore_mem>>
      %dma_start3A_14 = tpu.memref_slice %arg14[%mul3A_2] : memref<16384xf32, #tpu.memory_space<hbm>> -> memref<512xf32, #tpu.memory_space<hbm>>
      %dma_start3A_15 = tpu.memref_slice %arg14[%mul3A_2] : memref<16384xf32, #tpu.memory_space<hbm>> -> memref<512xf32, #tpu.memory_space<hbm>>
      tpu.enqueue_dma source(%arg27 : memref<512xf32, #tpu.memory_space<vmem>>) target(%dma_start3A_15 : memref<512xf32, #tpu.memory_space<hbm>>) target_semaphore(%run_scoped3A : memref<!tpu.dma_semaphore, #tpu.memory_space<semaphore_mem>>)
      %dma_wait3A_16 = tpu.memref_slice %arg14[%mul3A_2] : memref<16384xf32, #tpu.memory_space<hbm>> -> memref<512xf32, #tpu.memory_space<hbm>>
      %dma_wait3A_17 = tpu.memref_slice %arg14[%mul3A_2] : memref<16384xf32, #tpu.memory_space<hbm>> -> memref<512xf32, #tpu.memory_space<hbm>>
      tpu.wait_dma2 semaphore(%run_scoped3A : memref<!tpu.dma_semaphore, #tpu.memory_space<semaphore_mem>>) src(%arg27 : memref<512xf32, #tpu.memory_space<vmem>>) dst(%dma_wait3A_17 : memref<512xf32, #tpu.memory_space<hbm>>)
      tpu.yield
    }) : () -> ()
    return
  }
}

</mosaic_0001>

<sc_bundles>
// kernel: kernel.3.cloned.1.call-start
scs
__scs_entry_jumppad:
0x0: {  	(pc) =	sbr.rel $0x88, $3  }
0x1: {  	(tag) =	ssettag $0x0;
	lr =	simm.s32 $0x1  }
0x2: {  	[smem:$0x3F95] =	sst lr;
	_ =	strace $0xD0000000  }
0x3: {  	_ = 	snop  }
0x4: {  	_ = 	snop  }
0x5: {  	_ = 	snop  }
0x6: {  	_ = 	snop  }
0x7: {  	_ = 	snop  }
__scs_overlays_trampoline_lowered:
0x8: {  	[smem:$0x3FA4] =	sst s0  }
0x9: {  	[smem:$0x3FA5] =	sst s1  }
0xa: {  	[smem:$0x3FA6] =	sst s2  }
0xb: {  	[smem:$0x3FA7] =	sst s3  }
0xc: {  	[smem:$0x3FA8] =	sst s4  }
0xd: {  	[smem:$0x3FA9] =	sst s5  }
0xe: {  	[smem:$0x3FAA] =	sst s6  }
0xf: {  	[smem:$0x3FAB] =	sst s7  }
0x10: {  	[smem:$0x3FAC] =	sst s8  }
0x11: {  	[smem:$0x3FAD] =	sst s9;
	s0 =	simm.s32 @!p0 $0x0  }
0x12: {  	s1 =	sld [smem:$0x3F93];
	s0 =	simm.s32 @p0 $0x1  }
0x13: {  	[smem:$0x3FAE] =	sst s0;
	s0 =	simm.s32 @!p1 $0x0  }
0x14: {  	s2 =	sld [smem:$0x3F92];
	s0 =	simm.s32 @p1 $0x1  }
0x15: {  	[smem:$0x3FAF] =	sst s0;
	s0 =	simm.s32 @!p2 $0x0  }
0x16: {  	s3 =	sld [smem:$0x3FDB];
	s0 =	simm.s32 @p2 $0x1  }
0x17: {  	s4 =	simm.s32 $0x1BF5;
	[smem:$0x3FB1] =	sst s0  }
0x18: {  	s0 =	sld [smem:$0x3F94];
	_ =	swait.ge [sflag:s4], $0x0  }
0x19: {  	s7 =	sld [smem:$0x3F95]  }
0x1a: {  	s8 =	sadd.s32 $0xFFFFE003, lr  }
0x1b: {  	s9 =	sadd.s32 $0xFFFFFEF7, lr;
	s5 =	simm.s32 $0xFFFFFFFF;
	p2 =	slt.u32 s8, $0xFFFFF086  }
0x1c: {  	p1 =	slt.u32 s9, $0xF7A;
	s5 =	simm.s32 @!p2 $0x0  }
0x1d: {  	s5 =	simm.s32 @p1 $0x1;
	p0 =	seq.s32 s7, s2  }
0x1e: {  	s7 =	smul.u32 @!p0 $0xF7A, s2;
	p2 =	seq.s32 @!p0 s5, $0x0  }
0x1f: {  	s9 =	smul.u32 $0xF7A, s1;
	s8 =	simm.s32 @!p0 $0x1BF5;
	p2 =	por !p2, p0  }
0x20: {  	[sflag:s8] =	ssyncset.s32 @!p0 $0xFFFFF086;
	s6 =	sadd.s32 @!p0 s3, s7;
	s7 =	simm.s32 @!p0 $0x108  }
0x21: {  	s3 =	sadd.s32 s3, s9;
	s6 =	sadd.s32 @!p0 $0x88, s6;
	s7 =	simm.s32 @p2 $0x1082  }
0x22: {  	[simem:s7], [sflag:s8] =	dma.local @!p0 [hbm:s6], $0xF7A  }
0x23: {  	s9 =	sor.u32 $0xD0000000, s2;
	s6 =	simm.s32 $0x108;
	_ =	swait.ge @!p0 [sflag:s8], $0x0  }
0x24: {  	s3 =	sadd.s32 $0x88, s3;
	s6 =	simm.s32 @!p1 $0x1082;
	[sflag:s4] =	ssyncset.s32 $0xFFFFF086  }
0x25: {  	[simem:s6], [sflag:s4] =	dma.local [hbm:s3], $0xF7A  }
0x26: {  	[smem:$0x3F95] =	sst s1;
	(tag) =	ssettag s2;
	_ =	strace s9  }
0x27: {  	s1 =	sld [smem:$0x3FA5]  }
0x28: {  	s2 =	sld [smem:$0x3FA6]  }
0x29: {  	s4 =	sld [smem:$0x3FA8]  }
0x2a: {  	p0 =	seq.s32 s5, $0x0;
	s5 =	sld [smem:$0x3FA9]  }
0x2b: {  	s6 =	sld [smem:$0x3FAA]  }
0x2c: {  	s7 =	sld [smem:$0x3FAB]  }
0x2d: {  	s3 =	simm.s32 $0x108;
	s8 =	sld [smem:$0x3FAC]  }
0x2e: {  	s3 =	simm.s32 @!p0 $0x1082;
	s9 =	sld [smem:$0x3FAD]  }
0x2f: {  	lr =	sadd.s32 s0, s3;
	s0 =	sld [smem:$0x3FA4]  }
0x30: {  	s3 =	sld [smem:$0x3FA7]  }
0x31: {  	[smem:$0x3FB0] =	sst s10  }
0x32: {  	s10 =	sld [smem:$0x3FAE];
	_ =	sdelay $0x3  }
0x33: {  	p0 =	seq.s32 s10, $0x1;
	s10 =	sld [smem:$0x3FB0];
	_ =	sdelay $0x3  }
0x34: {  	[smem:$0x3FB0] =	sst s10  }
0x35: {  	s10 =	sld [smem:$0x3FAF];
	_ =	sdelay $0x3  }
0x36: {  	p1 =	seq.s32 s10, $0x1;
	s10 =	sld [smem:$0x3FB0];
	_ =	sdelay $0x3  }
0x37: {  	[smem:$0x3FB0] =	sst s10  }
0x38: {  	s10 =	sld [smem:$0x3FB1]  }
0x39: {  	_ = 	snop;
	(pc) =	sbr.ind lr, $3  }
0x3a: {  	_ = 	snop  }
0x3b: {  	_ = 	snop  }
0x3c: {  	p2 =	seq.s32 s10, $0x1;
	s10 =	sld [smem:$0x3FB0]  }
0x3d: {  	_ =	shalt  }
0x3e: {  	_ =	shalt  }
0x3f: {  	_ =	shalt  }
0x40: {  	_ =	shalt  }
0x41: {  	_ =	shalt  }
0x42: {  	_ =	shalt  }
0x43: {  	_ =	shalt  }
0x44: {  	_ =	shalt  }
0x45: {  	_ =	shalt  }
0x46: {  	_ =	shalt  }
0x47: {  	_ =	shalt  }
0x48: {  	_ =	shalt  }
0x49: {  	_ =	shalt  }
0x4a: {  	_ =	shalt  }
0x4b: {  	_ =	shalt  }
0x4c: {  	_ =	shalt  }
0x4d: {  	_ =	shalt  }
0x4e: {  	_ =	shalt  }
0x4f: {  	_ =	shalt  }
0x50: {  	_ =	shalt  }
0x51: {  	_ =	shalt  }
0x52: {  	_ =	shalt  }
0x53: {  	_ =	shalt  }
0x54: {  	_ =	shalt  }
0x55: {  	_ =	shalt  }
0x56: {  	_ =	shalt  }
0x57: {  	_ =	shalt  }
0x58: {  	_ =	shalt  }
0x59: {  	_ =	shalt  }
0x5a: {  	_ =	shalt  }
0x5b: {  	_ =	shalt  }
0x5c: {  	_ =	shalt  }
0x5d: {  	_ =	shalt  }
0x5e: {  	_ =	shalt  }
0x5f: {  	_ =	shalt  }
0x60: {  	_ =	shalt  }
0x61: {  	_ =	shalt  }
0x62: {  	_ =	shalt  }
0x63: {  	_ =	shalt  }
0x64: {  	_ =	shalt  }
0x65: {  	_ =	shalt  }
0x66: {  	_ =	shalt  }
0x67: {  	_ =	shalt  }
0x68: {  	_ =	shalt  }
0x69: {  	_ =	shalt  }
0x6a: {  	_ =	shalt  }
0x6b: {  	_ =	shalt  }
0x6c: {  	_ =	shalt  }
0x6d: {  	_ =	shalt  }
0x6e: {  	_ =	shalt  }
0x6f: {  	_ =	shalt  }
0x70: {  	_ =	shalt  }
0x71: {  	_ =	shalt  }
0x72: {  	_ =	shalt  }
0x73: {  	_ =	shalt  }
0x74: {  	_ =	shalt  }
0x75: {  	_ =	shalt  }
0x76: {  	_ =	shalt  }
0x77: {  	_ =	shalt  }
0x78: {  	_ =	shalt  }
0x79: {  	_ =	shalt  }
0x7a: {  	_ =	shalt  }
0x7b: {  	_ =	shalt  }
0x7c: {  	_ =	shalt  }
0x7d: {  	_ =	shalt  }
0x7e: {  	_ =	shalt  }
0x7f: {  	_ =	shalt  }
0x80: {  	_ =	shalt  }
0x81: {  	_ =	shalt  }
0x82: {  	_ =	shalt  }
0x83: {  	_ =	shalt  }
0x84: {  	_ =	shalt  }
0x85: {  	_ =	shalt  }
0x86: {  	_ =	shalt  }
0x87: {  	_ =	shalt  }
.Lfunc_end0:
.L_simem_size_0:
called_computation_lowered:
.L_overlay_start_0:
0x88: {  	s2 =	sld [smem:$0x3FD9]  }
0x89: {  	s3 =	sld [smem:$0x3FFE];
	_ =	sdelay $0x1  }
0x8a: {  	s1 =	srdreg.scid  }
0x8b: {  	s0 =	sand.u32 $0x1, s1  }
0x8c: {  	s17 =	sshll.u32 s0, $0xA;
	s2 =	sadd.s32 s3, s2  }
0x8d: {  	s2 =	sadd.s32 s2, s17  }
0x8e: {  	[smem:$0x3FBC] =	sst s2  }
0x8f: {  	_ = 	snop  }
0x90: {  	s2 =	sld [smem:$0x3FC9]  }
0x91: {  	s18 =	sld [smem:$0x3FD0];
	(tm) =	ssettm $0x1  }
0x92: {  	s4 =	sld [smem:$0x3FFB];
	_ =	sdelay $0x3  }
0x93: {  	_ =	strace s4  }
0x94: {  	s4 =	sld [smem:$0x3FFC];
	_ =	sdelay $0x3  }
0x95: {  	_ =	strace s4  }
0x96: {  	s4 =	sld [smem:$0x3FFD];
	_ =	sdelay $0x3  }
0x97: {  	_ =	strace s4  }
0x98: {  	_ =	strace $0x8FFFFFFF  }
0x99: {  	s19 =	sld [smem:$0x3FDB];
	_ =	sdelay $0x1  }
0x9a: {  	s5 =	simm.s32 $_scs_section_size  }
0x9b: {  	s6 =	simm.s32 $_size__tile_overlayer_lowered;
	s7 =	simm.s32 $_tile_overlayer_lowered  }
0x9c: {  	s22 =	simm.s32 $0x1BFF;
	s21 =	sshll.u32 s7, $0x1;
	s4 =	sadd.s32 s5, s19  }
0x9d: {  	s8 =	simm.s32 $0x0;
	s20 =	sshll.u32 s6, $0x1;
	s6 =	sadd.s32 s21, s4  }
0x9e: {  	[timem:s8], [sflag:s22] =	dma.local [hbm:s6], s20  }
0x9f: {  	_ =	swait.ge [sflag:s22], s20  }
0xa0: {  	s5 =	ssub.s32 $0x0, s20;
	[sflag:s22] =	ssyncset.done $0x0  }
0xa1: {  	[sflag:s22] =	ssyncadd.s32 s5;
	_ =	sdelay $0x1  }
0xa2: {  	s23 =	simm.s32 $0x1B8B  }
0xa3: {  	_ =	swait.ge [sflag:s23], $0x1  }
0xa4: {  	[sflag:s23] =	ssyncset.done $0x0  }
0xa5: {  	s25 =	simm.s32 $0x1B8E;
	s24 =	sld [smem:$0x3FFE];
	[sflag:s23] =	ssyncadd.s32 $0xFFFFFFFF  }
0xa6: {  	s26 =	simm.s32 $execute0_lowered;
	[smem:$0x3FD2] =	sst s25  }
0xa7: {  	s6 =	sshll.u32 s26, $0x1;
	_ =	strace $0x80000046;
	[dreg:$0x1] =	wrdreg $0xFFFFFFFF  }
0xa8: {  	s28 =	simm.s32 $_size_execute0_lowered;
	s4 =	sadd.s32 s4, s6;
	[dreg:$0x0] =	wrdreg $0x0  }
0xa9: {  	s6 =	sshll.u32 s28, $0x1;
	[dreg:$0x2] =	wrdreg s4  }
0xaa: {  	[dreg:$0x3] =	wrdreg s6  }
0xab: {  	[dreg:$0x4] =	wrdreg $0xC0  }
0xac: {  	_ =	task [dreg:s8], $0x5FFFF  }
0xad: {  	[dreg:$0x1] =	wrdreg $0xFFFFFFFF  }
0xae: {  	[dreg:$0x0] =	wrdreg $0x60  }
0xaf: {  	[dreg:$0x2] =	wrdreg s2  }
0xb0: {  	[dreg:$0x3] =	wrdreg s24  }
0xb1: {  	[dreg:$0x4] =	wrdreg s18  }
0xb2: {  	[dreg:$0x5] =	wrdreg $0x9  }
0xb3: {  	_ =	task.clear_ibuf [dreg:s8], $0x6FFFF;
	_ =	strace $0x90000046  }
0xb4: {  	s29 =	simm.s32 $0x9;
	_ =	strace $0x80000048  }
0xb5: {  	_ =	swait.ge [sflag:s29], $0x1  }
0xb6: {  	[sflag:s29] =	ssyncadd.s32 $0xFFFFFFFF  }
0xb7: {  	_ =	strace $0x90000048  }
0xb8: {  	_ =	sfence  }
0xb9: {  	s30 =	sld [smem:$0x0];
	_ =	sdelay $0x2  }
0xba: {  	s31 =	sshll.u32 s1, $0xD;
	s1 =	sshrl.u32 s1, $0x2  }
0xbb: {  	s3 =	sand.u32 $0x4000, s31;
	s1 =	sadd.s32 s1, s30  }
0xbc: {  	s0 =	sor.u32 s3, s0;
	s1 =	sshll.u32 s1, $0x11  }
0xbd: {  	s0 =	sor.u32 s1, s0  }
0xbe: {  	s0 =	sadd.s32 $0x8F2B, s0  }
0xbf: {  	[sflag:s0] =	ssyncadd.remote.s32 $0x1  }
0xc0: {  	_ =	sfence.sel $0xFFFF  }
0xc1: {  	[dreg:$0x0] =	wrdreg $0xFFFFFFFF;
	(pc) =	sbr.abs _section_cstart, $3  }
0xc2: {  	[dreg:$0x1] =	wrdreg $0xFFFFFFFF  }
0xc3: {  	_ =	task.clear_ibuf [dreg:s8], $0x2FFFF;
	_ =	strace $0x9FFFFFFF  }
0xc4: {  	(tm) =	ssettm $0x7FFFFFFF  }
0xc5: {  	_ =	shalt  }
tec
execute0_lowered:
.L_overlay_start_1:
0x0: {  	(tag) =	ssettag $0x1  }
0x1: {  	s0 =	rddreg [dreg:$0x0]  }
0x2: {  	s2 =	rddreg [dreg:$0x1]  }
0x3: {  	s9 =	rddreg [dreg:$0x2];
	s1 =	simm.s32 $0x0  }
0x4: {  	s12 =	srdreg.scid;
	s16 =	stileid.u32;
	s18 =	simm.s32 $0x200  }
0x5: {  	s19 =	simm.s32 $0x6600;
	s20 =	simm.s32 $0x1600;
	s21 =	simm.s32 $0x7A00  }
0x6: {  	s22 =	simm.s32 $0x2A00;
	s23 =	simm.s32 $0x8E00;
	s24 =	simm.s32 $0x3E00  }
0x7: {  	s25 =	simm.s32 $0xA200;
	s28 =	simm.s32 $0xB600;
	s29 =	simm.s32 $0x1  }
0x8: {  	s31 =	simm.s32 $0x2;
	[smem:$0x7FF] =	sst s1;
	s3 =	sadd.s32 $0x1600, s2  }
0x9: {  	s4 =	sadd.s32 $0x1E00, s2;
	s5 =	sadd.s32 $0x2200, s2;
	s6 =	sadd.s32 $0x2600, s2  }
0xa: {  	s7 =	sadd.s32 $0x2A00, s2;
	s8 =	sadd.s32 $0x2E00, s2;
	s10 =	sadd.s32 $0x3200, s2  }
0xb: {  	s11 =	sadd.s32 $0x3600, s2;
	s13 =	sand.u32 $0x1, s12;
	s12 =	sadd.s32 $0x3A00, s2  }
0xc: {  	s16 =	sshll.u32 s16, $0x7;
	_ =	strace $0x80000047;
	[dreg:$0x4] =	wrdreg s3  }
0xd: {  	s3 =	sadd.s32 $0x1A00, s2;
	s14 =	ssub.s32 $0x2, s13;
	s17 =	sshll.u32 s13, $0x6  }
0xe: {  	s13 =	sadd.s32 $0x3E00, s2;
	s15 =	sshrl.u32 s14, $0x1;
	s30 =	sor.u32 s17, s16  }
0xf: {  	s26 =	ssub.s32 s14, s15;
	s14 =	sadd.s32 s0, s30;
	s15 =	sadd.s32 s9, s30  }
0x10: {  	s0 =	simm.s32 $0x0;
	s16 =	smax.u32 s26, $0x1;
	s26 =	simm.s32 $0x5200  }
.LBB2_1:
0x11: {  	[tilespmem:s1], [sflag:$0x1] =	stream.linear.gather [hbm4b:s14+s1], $0x200, $0x38;
	[tilespmem:$0xCC80] =	vst v63  }
0x12: {  	s2 =	simm.s32 $0xCA00  }
0x13: {  	[tilespmem:s2], [sflag:$0x1] =	stream.linear.gather [hbm4b:s13+s1], $0x80, $0x38;
	[tilespmem:$0xCC80] =	vst v63  }
0x14: {  	s17 =	rddreg [dreg:$0x4]  }
0x15: {  	[tilespmem:s18], [sflag:$0x1] =	stream.linear.gather [hbm4b:s17+s1], $0x1400, $0x38;
	[tilespmem:$0xCC80] =	vst v63  }
0x16: {  	_ = 	snop  }
0x17: {  	[tilespmem:s19], [sflag:$0x1] =	stream.linear.gather [hbm4b:s7+s1], $0x1400, $0x38;
	[tilespmem:$0xCC80] =	vst v63  }
0x18: {  	_ = 	snop  }
0x19: {  	[tilespmem:s20], [sflag:$0x1] =	stream.linear.gather [hbm4b:s3+s1], $0x1400, $0x38;
	[tilespmem:$0xCC80] =	vst v63  }
0x1a: {  	_ = 	snop  }
0x1b: {  	[tilespmem:s21], [sflag:$0x1] =	stream.linear.gather [hbm4b:s8+s1], $0x1400, $0x38;
	[tilespmem:$0xCC80] =	vst v63  }
0x1c: {  	_ = 	snop  }
0x1d: {  	[tilespmem:s22], [sflag:$0x1] =	stream.linear.gather [hbm4b:s4+s1], $0x1400, $0x38;
	[tilespmem:$0xCC80] =	vst v63  }
0x1e: {  	_ = 	snop  }
0x1f: {  	[tilespmem:s23], [sflag:$0x1] =	stream.linear.gather [hbm4b:s10+s1], $0x1400, $0x38;
	[tilespmem:$0xCC80] =	vst v63  }
0x20: {  	_ = 	snop  }
0x21: {  	[tilespmem:s24], [sflag:$0x1] =	stream.linear.gather [hbm4b:s5+s1], $0x1400, $0x38;
	[tilespmem:$0xCC80] =	vst v63  }
0x22: {  	_ = 	snop  }
0x23: {  	[tilespmem:s25], [sflag:$0x1] =	stream.linear.gather [hbm4b:s11+s1], $0x1400, $0x38;
	[tilespmem:$0xCC80] =	vst v63  }
0x24: {  	_ = 	snop  }
0x25: {  	[tilespmem:s26], [sflag:$0x1] =	stream.linear.gather [hbm4b:s6+s1], $0x1400, $0x38;
	[tilespmem:$0xCC80] =	vst v63  }
0x26: {  	_ = 	snop  }
0x27: {  	[tilespmem:s28], [sflag:$0x1] =	stream.linear.gather [hbm4b:s12+s1], $0x1400, $0x38;
	[tilespmem:$0xCC80] =	vst v63  }
0x28: {  	_ =	swait.ge [sflag:s29], $0x200  }
0x29: {  	[sflag:s29] =	ssyncset.done $0x0  }
0x2a: {  	[sflag:s29] =	ssyncadd.s32 $0xFFFFFE00  }
0x2b: {  	_ =	swait.ge [sflag:s29], $0x80  }
0x2c: {  	[sflag:s29] =	ssyncset.done $0x0  }
0x2d: {  	[sflag:s29] =	ssyncadd.s32 $0xFFFFFF80  }
0x2e: {  	_ =	swait.ge [sflag:s29], $0x1400  }
0x2f: {  	[sflag:s29] =	ssyncset.done $0x0  }
0x30: {  	[sflag:s29] =	ssyncadd.s32 $0xFFFFEC00  }
0x31: {  	_ =	swait.ge [sflag:s29], $0x1400  }
0x32: {  	[sflag:s29] =	ssyncset.done $0x0  }
0x33: {  	[sflag:s29] =	ssyncadd.s32 $0xFFFFEC00  }
0x34: {  	_ =	swait.ge [sflag:s29], $0x1400  }
0x35: {  	[sflag:s29] =	ssyncset.done $0x0  }
0x36: {  	[sflag:s29] =	ssyncadd.s32 $0xFFFFEC00  }
0x37: {  	_ =	swait.ge [sflag:s29], $0x1400  }
0x38: {  	[sflag:s29] =	ssyncset.done $0x0  }
0x39: {  	[sflag:s29] =	ssyncadd.s32 $0xFFFFEC00  }
0x3a: {  	_ =	swait.ge [sflag:s29], $0x1400  }
0x3b: {  	[sflag:s29] =	ssyncset.done $0x0  }
0x3c: {  	[sflag:s29] =	ssyncadd.s32 $0xFFFFEC00  }
0x3d: {  	_ =	swait.ge [sflag:s29], $0x1400  }
0x3e: {  	[sflag:s29] =	ssyncset.done $0x0  }
0x3f: {  	[sflag:s29] =	ssyncadd.s32 $0xFFFFEC00  }
0x40: {  	_ =	swait.ge [sflag:s29], $0x1400  }
0x41: {  	[sflag:s29] =	ssyncset.done $0x0  }
0x42: {  	[sflag:s29] =	ssyncadd.s32 $0xFFFFEC00  }
0x43: {  	_ =	swait.ge [sflag:s29], $0x1400  }
0x44: {  	[sflag:s29] =	ssyncset.done $0x0  }
0x45: {  	[sflag:s29] =	ssyncadd.s32 $0xFFFFEC00  }
0x46: {  	_ =	swait.ge [sflag:s29], $0x1400  }
0x47: {  	[sflag:s29] =	ssyncset.done $0x0  }
0x48: {  	[sflag:s29] =	ssyncadd.s32 $0xFFFFEC00  }
0x49: {  	_ =	swait.ge [sflag:s29], $0x1400  }
0x4a: {  	[sflag:s29] =	ssyncset.done $0x0  }
0x4b: {  	s9 =	simm.s32 $0x0;
	[sflag:s29] =	ssyncadd.s32 $0xFFFFEC00  }
0x4c: {  	v0 =	vld [tilespmem:s9+$0x0];
	_ =	sdelay $0x4  }
0x4d: {  	v1 =	vcvt.s32.f32 v0;
	_ =	sdelay $0x1  }
0x4e: {  	v2 =	vmul.f32 $2.002803960e-04, v1  }
0x4f: {  	v3 =	vmul.f32 $2.000400130e-04, v1;
	v4 =	vmul.f32 $1.998800730e-04, v1  }
0x50: {  	v5 =	vmul.f32 $1.995609640e-04, v1;
	v1 =	vmul.f32 $1.996406500e-04, v1  }
0x51: {  	v2 =	vtrunc.f32 v2;
	v3 =	vtrunc.f32 v3  }
0x52: {  	v4 =	vtrunc.f32 v4;
	v5 =	vtrunc.f32 v5  }
0x53: {  	v1 =	vtrunc.f32 v1;
	v2 =	vcvt.f32.s32 v2  }
0x54: {  	v3 =	vcvt.f32.s32 v3;
	v4 =	vcvt.f32.s32 v4  }
0x55: {  	v5 =	vcvt.f32.s32 v5;
	v1 =	vcvt.f32.s32 v1  }
0x56: {  	v2 =	vmul.u32 $0xFFFFEC7F, v2;
	v3 =	vmul.u32 $0xFFFFEC79, v3;
	v4 =	vmul.u32 $0xFFFFEC75, v4  }
0x57: {  	v5 =	vmul.u32 $0xFFFFEC6D, v5;
	v1 =	vmul.u32 $0xFFFFEC6F, v1  }
0x58: {  	v2 =	vadd.s32 v0, v2;
	v3 =	vadd.s32 v0, v3;
	v4 =	vadd.s32 v0, v4  }
0x59: {  	v1 =	vadd.s32 v0, v1;
	vm0 =	vlt.s32 v2, $0x0;
	v6 =	vadd.s32 $0x1381, v2  }
0x5a: {  	v7 =	vadd.s32 $0x138B, v4;
	vm1 =	vlt.s32 v4, $0x0;
	v2 =	vsel vm0, v6, v2  }
0x5b: {  	v6 =	vadd.s32 $0x1387, v3;
	vm0 =	vlt.s32 v3, $0x0;
	v4 =	vsel vm1, v7, v4  }
0x5c: {  	v3 =	vsel vm0, v6, v3;
	vm0 =	vlt.s32 v1, $0x0;
	v6 =	vadd.s32 $0x1391, v1  }
0x5d: {  	vm2 =	vgt.s32 v4, $0x138A;
	vm1 =	vgt.s32 v3, $0x1386;
	v7 =	vadd.s32 $0xFFFFEC79, v3  }
0x5e: {  	v1 =	vsel vm0, v6, v1;
	v6 =	vadd.s32 $0xFFFFEC75, v4;
	v3 =	vsel vm1, v7, v3  }
0x5f: {  	v4 =	vsel vm2, v6, v4  }
0x60: {  	v0 =	vadd.s32 v0, v5;
	vm0 =	vgt.s32 v1, $0x1390;
	v7 =	vadd.s32 $0xFFFFEC6F, v1  }
0x61: {  	vm1 =	vgt.s32 v2, $0x1380;
	v6 =	vadd.s32 $0xFFFFEC7F, v2;
	v1 =	vsel vm0, v7, v1  }
0x62: {  	v5 =	vld [tilespmem:$0xCA00];
	v2 =	vsel vm1, v6, v2;
	vm0 =	vlt.s32 v0, $0x0;
	v6 =	vadd.s32 $0x1393, v0  }
0x63: {  	v0 =	vsel vm0, v6, v0;
	v6 =	vld.idx.msk [tilespmem:v3+s21+$0x0], $0xffff  }
0x64: {  	v8 =	vld.idx.msk [tilespmem:v4+s22+$0x0], $0xffff  }
0x65: {  	vm0 =	vgt.s32 v0, $0x1392;
	v7 =	vadd.s32 $0xFFFFEC6D, v0;
	v3 =	vld.idx.msk [tilespmem:v3+s20+$0x0], $0xffff  }
0x66: {  	v7 =	vsel vm0, v7, v0;
	v4 =	vld.idx.msk [tilespmem:v4+s23+$0x0], $0xffff  }
0x67: {  	v9 =	vld.idx.msk [tilespmem:v1+s24+$0x0], $0xffff  }
0x68: {  	v10 =	vld.idx.msk [tilespmem:v2+s18+$0x0], $0xffff  }
0x69: {  	v2 =	vld.idx.msk [tilespmem:v2+s19+$0x0], $0xffff  }
0x6a: {  	v1 =	vld.idx.msk [tilespmem:v1+s25+$0x0], $0xffff  }
0x6b: {  	v0 =	vadd.f32 $1.000000000e+00, v5;
	v5 =	vld.idx.msk [tilespmem:v7+s26+$0x0], $0xffff;
	_ =	sdelay $0x1  }
0x6c: {  	v7 =	vld.idx.msk [tilespmem:v7+s28+$0x0], $0xffff;
	v6 =	vmul.f32 $9.998999830e-01, v6;
	v3 =	vsub.f32 v0, v3;
	v10 =	vsub.f32 v0, v10  }
0x6d: {  	v8 =	vsub.f32 v0, v8;
	v4 =	vmul.f32 $9.998999830e-01, v4;
	v2 =	vmul.f32 $9.998999830e-01, v2  }
0x6e: {  	v9 =	vsub.f32 v0, v9;
	v3 =	vmul.f32 $9.999999740e-05, v3;
	v10 =	vmul.f32 $9.999999740e-05, v10  }
0x6f: {  	v1 =	vmul.f32 $9.998999830e-01, v1;
	v8 =	vmul.f32 $9.999999740e-05, v8;
	v5 =	vsub.f32 v0, v5  }
0x70: {  	v9 =	vmul.f32 $9.999999740e-05, v9;
	v3 =	vadd.f32 v3, v6;
	v2 =	vadd.f32 v10, v2  }
0x71: {  	v4 =	vadd.f32 v8, v4;
	v6 =	vmul.f32 $9.998999830e-01, v7;
	v5 =	vmul.f32 $9.999999740e-05, v5  }
0x72: {  	v1 =	vadd.f32 v9, v1;
	v2 =	vmax.f32 v2, v3  }
0x73: {  	v2 =	vmax.f32 v2, v4;
	v3 =	vadd.f32 v5, v6  }
0x74: {  	v1 =	vmax.f32 v2, v1  }
0x75: {  	v3 =	vmax.f32 v1, v3  }
0x76: {  	v1 =	vand.u32 $0x7FFFFF, v3  }
0x77: {  	s17 =	simm.s32 $0x10;
	v1 =	vor.u32 $0x3F800000, v1  }
0x78: {  	v2 =	vadd.f32 $-1.000000000e+00, v1;
	v1 =	vld [tilespmem:s17+$0x0];
	_ =	sdelay $0x1  }
0x79: {  	v4 =	vmul.f32 $-1.221425180e-02, v2;
	_ =	sdelay $0x1  }
0x7a: {  	v4 =	vadd.f32 $6.298603860e-02, v4  }
0x7b: {  	v5 =	vcvt.s32.f32 v1  }
0x7c: {  	v4 =	vmul.f32 v4, v2  }
0x7d: {  	v6 =	vmul.f32 $2.002803960e-04, v5  }
0x7e: {  	v7 =	vmul.f32 $2.000400130e-04, v5;
	v8 =	vmul.f32 $1.998800730e-04, v5;
	v4 =	vadd.f32 $-1.540769340e-01, v4  }
0x7f: {  	v9 =	vmul.f32 $1.995609640e-04, v5;
	v5 =	vmul.f32 $1.996406500e-04, v5  }
0x80: {  	v6 =	vtrunc.f32 v6;
	v4 =	vmul.f32 v4, v2  }
0x81: {  	v3 =	vshra.s32 v3, $0x17;
	v7 =	vtrunc.f32 v7;
	v6 =	vcvt.f32.s32 v6  }
0x82: {  	v8 =	vtrunc.f32 v8;
	v9 =	vtrunc.f32 v9;
	v4 =	vadd.f32 $2.547762100e-01, v4  }
0x83: {  	v7 =	vcvt.f32.s32 v7;
	v11 =	vcvt.f32.s32 v8;
	v6 =	vmul.u32 $0xFFFFEC7F, v6  }
0x84: {  	v3 =	vadd.s32 $0xFFFFFF81, v3;
	v8 =	vtrunc.f32 v5;
	v4 =	vmul.f32 v4, v2  }
0x85: {  	v10 =	vmul.u32 $0xFFFFEC79, v7;
	v7 =	vcvt.f32.s32 v9;
	v6 =	vadd.s32 v1, v6  }
0x86: {  	vm0 =	vlt.s32 v6, $0x0;
	v5 =	vadd.s32 $0x1381, v6;
	v12 =	vadd.f32 $-3.527869580e-01, v4  }
0x87: {  	v9 =	vmul.u32 $0xFFFFEC75, v11;
	v4 =	vsel vm0, v5, v6;
	v5 =	vadd.s32 v1, v10  }
0x88: {  	s30 =	simm.s32 $0x80;
	vm0 =	vgt.s32 v4, $0x1380;
	v6 =	vadd.s32 $0xFFFFEC7F, v4;
	v10 =	vmul.f32 v12, v2  }
.LBB2_2:
0x89: {  	p0 =	sne.s32 s30, $0x7C0;
	v4 =	vsel vm0, v6, v4;
	v6 =	vcvt.f32.s32 v8;
	v7 =	vmul.u32 $0xFFFFEC6D, v7;
	s2 =	smov.u32 s30;
	s30 =	sadd.s32 $0x40, s30  }
0x8a: {  	v8 =	vadd.s32 v1, v9;
	v9 =	vadd.f32 $4.799159770e-01, v10  }
0x8b: {  	v10 =	vadd.s32 $0x1387, v5;
	v11 =	vadd.s32 $0x138B, v8;
	v6 =	vmul.u32 $0xFFFFEC6F, v6  }
0x8c: {  	vm0 =	vlt.s32 v5, $0x0;
	vm1 =	vlt.s32 v8, $0x0;
	v9 =	vmul.f32 v9, v2  }
0x8d: {  	v5 =	vsel vm0, v10, v5;
	v8 =	vsel vm1, v11, v8;
	v6 =	vadd.s32 v1, v6  }
0x8e: {  	vm0 =	vlt.s32 v6, $0x0;
	v10 =	vadd.s32 $0x1391, v6;
	v9 =	vadd.f32 $-7.212949390e-01, v9  }
0x8f: {  	vm1 =	vgt.s32 v5, $0x1386;
	v11 =	vadd.s32 $0xFFFFEC79, v5;
	vm2 =	vgt.s32 v8, $0x138A  }
0x90: {  	v5 =	vsel vm1, v11, v5;
	v6 =	vsel vm0, v10, v6;
	v9 =	vmul.f32 v9, v2  }
0x91: {  	v10 =	vadd.s32 $0xFFFFEC75, v8;
	vm0 =	vgt.s32 v6, $0x1390;
	v11 =	vadd.s32 $0xFFFFEC6F, v6  }
0x92: {  	v8 =	vsel vm2, v10, v8;
	v6 =	vsel vm0, v11, v6;
	v9 =	vadd.f32 $1.442694310e+00, v9  }
0x93: {  	v3 =	vcvt.s32.f32 v3;
	v1 =	vadd.s32 v1, v7  }
0x94: {  	v7 =	vadd.s32 $0x1393, v1;
	vm0 =	vlt.s32 v1, $0x0;
	v2 =	vmul.f32 v9, v2  }
0x95: {  	v1 =	vsel vm0, v7, v1  }
0x96: {  	vm0 =	vgt.s32 v1, $0x1392;
	v7 =	vadd.s32 $0xFFFFEC6D, v1;
	v2 =	vadd.f32 v3, v2  }
0x97: {  	v1 =	vsel vm0, v7, v1  }
0x98: {  	v2 =	vmul.f32 $-6.931471820e-01, v2;
	_ =	sdelay $0x1  }
0x99: {  	[tilespmem:s9+$0xCA80] =	vst v2;
	s9 =	smov.u32 s17  }
0x9a: {  	v2 =	vld.idx.msk [tilespmem:v5+s21+$0x0], $0xffff  }
0x9b: {  	v3 =	vld.idx.msk [tilespmem:v8+s22+$0x0], $0xffff  }
0x9c: {  	v7 =	vld.idx.msk [tilespmem:v6+s24+$0x0], $0xffff  }
0x9d: {  	v9 =	vld.idx.msk [tilespmem:v4+s18+$0x0], $0xffff  }
0x9e: {  	v5 =	vld.idx.msk [tilespmem:v5+s20+$0x0], $0xffff  }
0x9f: {  	v4 =	vld.idx.msk [tilespmem:v4+s19+$0x0], $0xffff  }
0xa0: {  	v8 =	vld.idx.msk [tilespmem:v8+s23+$0x0], $0xffff  }
0xa1: {  	v3 =	vsub.f32 v0, v3;
	v10 =	vld.idx.msk [tilespmem:v1+s26+$0x0], $0xffff  }
0xa2: {  	v7 =	vsub.f32 v0, v7;
	v6 =	vld.idx.msk [tilespmem:v6+s25+$0x0], $0xffff  }
0xa3: {  	v9 =	vsub.f32 v0, v9;
	v1 =	vld.idx.msk [tilespmem:v1+s28+$0x0], $0xffff  }
0xa4: {  	v2 =	vmul.f32 $9.998999830e-01, v2;
	v5 =	vsub.f32 v0, v5;
	v7 =	vmul.f32 $9.999999740e-05, v7  }
0xa5: {  	v4 =	vmul.f32 $9.998999830e-01, v4;
	v9 =	vmul.f32 $9.999999740e-05, v9  }
0xa6: {  	v5 =	vmul.f32 $9.999999740e-05, v5;
	v8 =	vmul.f32 $9.998999830e-01, v8  }
0xa7: {  	v3 =	vmul.f32 $9.999999740e-05, v3;
	v4 =	vadd.f32 v9, v4;
	v9 =	vsub.f32 v0, v10  }
0xa8: {  	v2 =	vadd.f32 v5, v2;
	v5 =	vmul.f32 $9.998999830e-01, v6  }
0xa9: {  	v3 =	vadd.f32 v3, v8;
	v1 =	vmul.f32 $9.998999830e-01, v1;
	v6 =	vmul.f32 $9.999999740e-05, v9  }
0xaa: {  	v2 =	vmax.f32 v4, v2;
	v4 =	vadd.f32 v7, v5  }
0xab: {  	v2 =	vmax.f32 v2, v3;
	v1 =	vadd.f32 v6, v1  }
0xac: {  	v2 =	vmax.f32 v2, v4  }
0xad: {  	v1 =	vmax.f32 v2, v1  }
0xae: {  	v2 =	vshra.s32 v1, $0x17;
	v1 =	vand.u32 $0x7FFFFF, v1  }
0xaf: {  	v3 =	vadd.s32 $0xFFFFFF81, v2;
	v1 =	vor.u32 $0x3F800000, v1  }
0xb0: {  	s17 =	sshra.s32 s2, $0x2;
	v2 =	vadd.f32 $-1.000000000e+00, v1  }
0xb1: {  	v1 =	vld [tilespmem:s17+$0x0]  }
0xb2: {  	v4 =	vmul.f32 $-1.221425180e-02, v2;
	_ =	sdelay $0x1  }
0xb3: {  	v4 =	vadd.f32 $6.298603860e-02, v4;
	_ =	sdelay $0x1  }
0xb4: {  	v4 =	vmul.f32 v4, v2;
	v5 =	vcvt.s32.f32 v1;
	_ =	sdelay $0x1  }
0xb5: {  	v4 =	vadd.f32 $-1.540769340e-01, v4;
	v6 =	vmul.f32 $2.002803960e-04, v5;
	v7 =	vmul.f32 $2.000400130e-04, v5  }
0xb6: {  	v8 =	vmul.f32 $1.998800730e-04, v5;
	v9 =	vmul.f32 $1.995609640e-04, v5  }
0xb7: {  	v4 =	vmul.f32 v4, v2;
	v6 =	vtrunc.f32 v6  }
0xb8: {  	v7 =	vtrunc.f32 v7;
	v6 =	vcvt.f32.s32 v6  }
0xb9: {  	v8 =	vtrunc.f32 v8;
	v7 =	vcvt.f32.s32 v7;
	v4 =	vadd.f32 $2.547762100e-01, v4  }
0xba: {  	v5 =	vmul.f32 $1.996406500e-04, v5;
	v9 =	vtrunc.f32 v9;
	v6 =	vmul.u32 $0xFFFFEC7F, v6  }
.Ltmp0:
0xbb: {  	v11 =	vcvt.f32.s32 v8;
	v10 =	vmul.u32 $0xFFFFEC79, v7;
	v4 =	vmul.f32 v4, v2;
	(pc) =	sbr.rel @p0 .LBB2_2-.Ltmp0, $4  }
0xbc: {  	v8 =	vtrunc.f32 v5;
	v7 =	vcvt.f32.s32 v9;
	v6 =	vadd.s32 v1, v6  }
0xbd: {  	v12 =	vadd.f32 $-3.527869580e-01, v4;
	vm0 =	vlt.s32 v6, $0x0;
	v5 =	vadd.s32 $0x1381, v6  }
0xbe: {  	v9 =	vmul.u32 $0xFFFFEC75, v11;
	v4 =	vsel vm0, v5, v6;
	v5 =	vadd.s32 v1, v10  }
0xbf: {  	v10 =	vmul.f32 v12, v2;
	vm0 =	vgt.s32 v4, $0x1380;
	v6 =	vadd.s32 $0xFFFFEC7F, v4  }
0xc0: {  	_ = 	snop  }
0xc1: {  	v10 =	vadd.f32 $4.799159770e-01, v10;
	_ =	sdelay $0x1  }
0xc2: {  	v10 =	vmul.f32 v10, v2;
	_ =	sdelay $0x1  }
0xc3: {  	v10 =	vadd.f32 $-7.212949390e-01, v10  }
0xc4: {  	v8 =	vcvt.f32.s32 v8;
	v9 =	vadd.s32 v1, v9;
	v11 =	vadd.s32 $0x1387, v5  }
0xc5: {  	vm1 =	vlt.s32 v5, $0x0;
	v7 =	vmul.u32 $0xFFFFEC6D, v7;
	v10 =	vmul.f32 v10, v2  }
0xc6: {  	v3 =	vcvt.s32.f32 v3;
	v5 =	vsel vm1, v11, v5;
	v48 =	vadd.s32 $0x138B, v9  }
0xc7: {  	vm12 =	vlt.s32 v9, $0x0;
	v8 =	vmul.u32 $0xFFFFEC6F, v8;
	v10 =	vadd.f32 $1.442694310e+00, v10  }
0xc8: {  	v9 =	vsel vm12, v48, v9;
	vm2 =	vgt.s32 v5, $0x1386;
	v49 =	vadd.s32 $0xFFFFEC79, v5  }
0xc9: {  	v5 =	vsel vm2, v49, v5;
	v8 =	vadd.s32 v1, v8;
	v50 =	vmul.f32 v10, v2  }
0xca: {  	vm14 =	vgt.s32 v9, $0x138A;
	vm13 =	vlt.s32 v8, $0x0;
	v51 =	vadd.s32 $0x1391, v8  }
0xcb: {  	v52 =	vadd.s32 $0xFFFFEC75, v9;
	v8 =	vsel vm13, v51, v8;
	v2 =	vadd.f32 v3, v50  }
0xcc: {  	v9 =	vsel vm14, v52, v9;
	vm1 =	vgt.s32 v8, $0x1390;
	v53 =	vadd.s32 $0xFFFFEC6F, v8  }
0xcd: {  	v3 =	vsel vm1, v53, v8;
	v2 =	vmul.f32 $-6.931471820e-01, v2  }
0xce: {  	v4 =	vsel vm0, v6, v4;
	v54 =	vadd.s32 v1, v7  }
0xcf: {  	vm15 =	vlt.s32 v54, $0x0;
	v55 =	vadd.s32 $0x1393, v54;
	[tilespmem:s9+$0xCA80] =	vst v2  }
0xd0: {  	v1 =	vsel vm15, v55, v54;
	v2 =	vld.idx.msk [tilespmem:v5+s21+$0x0], $0xffff  }
0xd1: {  	vm0 =	vgt.s32 v1, $0x1392;
	v6 =	vadd.s32 $0xFFFFEC6D, v1;
	v56 =	vld.idx.msk [tilespmem:v9+s22+$0x0], $0xffff  }
0xd2: {  	v1 =	vsel vm0, v6, v1;
	v57 =	vld.idx.msk [tilespmem:v3+s24+$0x0], $0xffff  }
0xd3: {  	v58 =	vld.idx.msk [tilespmem:v4+s18+$0x0], $0xffff  }
0xd4: {  	v5 =	vld.idx.msk [tilespmem:v5+s20+$0x0], $0xffff  }
0xd5: {  	v4 =	vld.idx.msk [tilespmem:v4+s19+$0x0], $0xffff  }
0xd6: {  	v9 =	vld.idx.msk [tilespmem:v9+s23+$0x0], $0xffff  }
0xd7: {  	v59 =	vld.idx.msk [tilespmem:v1+s26+$0x0], $0xffff  }
0xd8: {  	v3 =	vld.idx.msk [tilespmem:v3+s25+$0x0], $0xffff;
	_ =	sdelay $0x1  }
0xd9: {  	v1 =	vld.idx.msk [tilespmem:v1+s28+$0x0], $0xffff;
	v8 =	vsub.f32 v0, v58;
	v2 =	vmul.f32 $9.998999830e-01, v2;
	v5 =	vsub.f32 v0, v5  }
0xda: {  	v7 =	vsub.f32 v0, v56;
	v4 =	vmul.f32 $9.998999830e-01, v4;
	v9 =	vmul.f32 $9.998999830e-01, v9  }
0xdb: {  	v6 =	vsub.f32 v0, v57;
	v8 =	vmul.f32 $9.999999740e-05, v8;
	v5 =	vmul.f32 $9.999999740e-05, v5  }
0xdc: {  	v60 =	vsub.f32 v0, v59;
	v3 =	vmul.f32 $9.998999830e-01, v3;
	v7 =	vmul.f32 $9.999999740e-05, v7  }
0xdd: {  	v6 =	vmul.f32 $9.999999740e-05, v6;
	v4 =	vadd.f32 v8, v4;
	v2 =	vadd.f32 v5, v2  }
0xde: {  	v1 =	vmul.f32 $9.998999830e-01, v1;
	v0 =	vmul.f32 $9.999999740e-05, v60;
	v61 =	vadd.f32 v7, v9  }
0xdf: {  	v3 =	vadd.f32 v6, v3;
	v2 =	vmax.f32 v4, v2  }
0xe0: {  	v0 =	vadd.f32 v0, v1;
	v2 =	vmax.f32 v2, v61  }
0xe1: {  	v62 =	vmax.f32 v2, v3  }
0xe2: {  	v0 =	vmax.f32 v62, v0  }
0xe3: {  	v1 =	vand.u32 $0x7FFFFF, v0  }
0xe4: {  	v1 =	vor.u32 $0x3F800000, v1  }
0xe5: {  	v1 =	vadd.f32 $-1.000000000e+00, v1;
	_ =	sdelay $0x1  }
0xe6: {  	v63 =	vmul.f32 $-1.221425180e-02, v1;
	_ =	sdelay $0x1  }
0xe7: {  	v2 =	vadd.f32 $6.298603860e-02, v63;
	_ =	sdelay $0x1  }
0xe8: {  	v2 =	vmul.f32 v2, v1;
	_ =	sdelay $0x1  }
0xe9: {  	v2 =	vadd.f32 $-1.540769340e-01, v2;
	_ =	sdelay $0x1  }
0xea: {  	v2 =	vmul.f32 v2, v1;
	_ =	sdelay $0x1  }
0xeb: {  	v2 =	vadd.f32 $2.547762100e-01, v2;
	_ =	sdelay $0x1  }
0xec: {  	v2 =	vmul.f32 v2, v1;
	_ =	sdelay $0x1  }
0xed: {  	v2 =	vadd.f32 $-3.527869580e-01, v2;
	_ =	sdelay $0x1  }
0xee: {  	v2 =	vmul.f32 v2, v1;
	_ =	sdelay $0x1  }
0xef: {  	v2 =	vadd.f32 $4.799159770e-01, v2;
	_ =	sdelay $0x1  }
0xf0: {  	v2 =	vmul.f32 v2, v1;
	_ =	sdelay $0x1  }
0xf1: {  	v2 =	vadd.f32 $-7.212949390e-01, v2;
	_ =	sdelay $0x1  }
0xf2: {  	v2 =	vmul.f32 v2, v1;
	_ =	sdelay $0x1  }
0xf3: {  	v0 =	vshra.s32 v0, $0x17;
	v2 =	vadd.f32 $1.442694310e+00, v2  }
0xf4: {  	v0 =	vadd.s32 $0xFFFFFF81, v0  }
0xf5: {  	v0 =	vcvt.s32.f32 v0;
	v1 =	vmul.f32 v2, v1;
	_ =	sdelay $0x1  }
0xf6: {  	v0 =	vadd.f32 v0, v1;
	_ =	sdelay $0x1  }
0xf7: {  	s0 =	sadd.s32 $0x1, s0;
	v0 =	vmul.f32 $-6.931471820e-01, v0  }
0xf8: {  	p0 =	sne.s32 s0, s16  }
.Ltmp1:
0xf9: {  	s2 =	simm.s32 $0xCA80;
	[tilespmem:s17+$0xCA80] =	vst v0;
	(pc) =	sbr.rel @p0 .LBB2_1-.Ltmp1, $4  }
0xfa: {  	[hbm4b:s15+s1] =	stream.linear.scatter [tilespmem:s2], [sflag:$0x2], $0x200, $0x38;
	[tilespmem:$0xCC80] =	vst v63  }
0xfb: {  	_ =	swait.ge [sflag:s31], $0x200  }
0xfc: {  	[sflag:s31] =	ssyncset.done $0x0  }
0xfd: {  	[sflag:s31] =	ssyncadd.s32 $0xFFFFFE00  }
0xfe: {  	_ =	sfence.sel $0x180000  }
0xff: {  	[bflag:$0x0] =	sbarrier.arrive $0xFFFF  }
0x100: {  	_ =	strace $0x90000047  }
0x101: {  	s0 =	stileid.u32;
	[bflag:$0x2] =	sbarrier.arrive $0xFFFF  }
0x102: {  	p0 =	sne.s32 s0, $0x0;
	s0 =	rddreg [dreg:$0x3]  }
0x103: {  	s0 =	sadd.s32 @!p0 $0x100000, s0  }
0x104: {  	[sflag:s0] =	ssyncadd.tile.s32 @!p0 $0x1;
	_ =	shalt  }
.Lfunc_end2:
_tile_overlayer_lowered:
.L_overlay_start_2:
0x105: {  	(tag) =	ssettag $0x2  }
0x106: {  	s0 =	rddreg [dreg:$0x0];
	s2 =	stileid.u32  }
0x107: {  	s1 =	rddreg [dreg:$0x1];
	p0 =	sne.s32 s2, $0x0  }
0x108: {  	s3 =	rddreg [dreg:$0x2];
	[bflag:$0x3] =	sbarrier.arrive $0xFFFF;
	s2 =	simm.s32 @!p0 $0x1C02  }
0x109: {  	[timem:s3], [sflag:s2] =	dma.local @!p0 [hbm:s0], s1  }
0x10a: {  	s0 =	simm.s32 @!p0 $0x2  }
0x10b: {  	_ =	swait.ge @!p0 [sflag:s0], s1  }
0x10c: {  	s1 =	ssub.s32 @!p0 $0x0, s1;
	[sflag:s0] =	ssyncset.done @!p0 $0x0  }
0x10d: {  	[sflag:s0] =	ssyncadd.s32 @!p0 s1  }
0x10e: {  	[bflag:$0x3] =	sbarrier.arrive $0xFFFF  }
0x10f: {  	_ =	shalt  }

</sc_bundles>
